<compile_context>
chip_gen: v7x
topology: tpu7x:2x2x1
jax: 0.10.2.dev20260603
libtpu: 0.0.44.dev20260713+nightly
codegen_flags: <defaults>
</compile_context>

<pallas_src>
import jax
import jax.numpy as jnp
from jax import lax
from jax.experimental import pallas as pl
from jax.experimental.pallas import tpu as pltpu

N_CLASSES = 1000
ROWS_PER_BLOCK = 512


def _onehot_body(y_ref, out_ref):
    labels = y_ref[:, :]
    cols = lax.broadcasted_iota(jnp.int32, (ROWS_PER_BLOCK, N_CLASSES), 1)
    out_ref[:, :] = (cols == labels).astype(jnp.float32)


def kernel(y):
    n = y.shape[0] * y.shape[1]
    y_flat = y.reshape(n, 1)
    grid = n // ROWS_PER_BLOCK
    out = pl.pallas_call(
        _onehot_body,
        grid=(grid,),
        in_specs=[pl.BlockSpec((ROWS_PER_BLOCK, 1), lambda i: (i, 0))],
        out_specs=pl.BlockSpec((ROWS_PER_BLOCK, N_CLASSES), lambda i: (i, 0)),
        out_shape=jax.ShapeDtypeStruct((n, N_CLASSES), jnp.float32),
        compiler_params=pltpu.CompilerParams(
            dimension_semantics=("parallel",),
        ),
    )(y_flat)
    return out.reshape(y.shape + (N_CLASSES,))

# --- scband reference (transcript-rebuilt; emitter-appended) ---
"""Pipeline reference for scband-one-hot-encode-61435212202563 (READ-ONLY COPY).

The authoritative reference and input builder live on the scoring server;
editing this copy changes nothing except your own understanding.
"""

import jax, jax.numpy as jnp
import numpy as np

N_DIMS = 1000

def setup_inputs(seed: int = 0) -> dict:
    key = jax.random.key(seed)
    # int labels in [0, N_DIMS); use int32 to stay safe without x64 flag
    y = jax.random.randint(key, (4096, 26), 0, N_DIMS, dtype=jnp.int32)
    return {"y": y}

def reference(y) -> jnp.ndarray:
    # Faithful translation of OneHotEncode.forward:
    #   y_tensor = y.view(-1, 1)
    #   y_one_hot = zeros(N, n_dims).scatter_(1, y_tensor, 1)
    #   return y_one_hot.view(*y.shape, -1)
    y_flat = y.reshape(-1)
    n = y_flat.shape[0]
    one_hot = jnp.zeros((n, N_DIMS), dtype=jnp.float32).at[jnp.arange(n), y_flat].set(1.0)
    return one_hot.reshape(y.shape + (N_DIMS,))

if __name__ == "__main__":
    import jax
    _d = setup_inputs()
    print(jax.jit(kernel)(*tuple(_d.values())))

</pallas_src>

<mosaic_0001>
module attributes {stable_mosaic.version = 14 : i64} {
  func.func @_onehot_body(%arg0: i32, %arg1: memref<512x1xi32, #tpu.memory_space<vmem>>, %arg2: memref<512x1000xf32, #tpu.memory_space<vmem>>) attributes {dimension_semantics = [#tpu.dimension_semantics<parallel>], iteration_bounds = array<i64: 208>, scalar_prefetch = 0 : i64, scratch_operands = 0 : i64, tpu.core_type = #tpu.core_type<tc>, window_params = [{transform_indices = @transform_0, window_bounds = array<i64: 512, 1>}, {transform_indices = @transform_1, window_bounds = array<i64: 512, 1000>}]} {
    %get3A = arith.constant 0 : index
    %get3A_0 = arith.constant 0 : index
    %get3A_1 = vector.load %arg1[%get3A, %get3A_0] : memref<512x1xi32, #tpu.memory_space<vmem>>, vector<512x1xi32>
    %iota3A = tpu.iota {dimensions = array<i32: 1>} : vector<512x1000xi32>
    %eq3A = vector.broadcast %get3A_1 : vector<512x1xi32> to vector<512x1000xi32>
    %eq3A_2 = arith.cmpi eq, %iota3A, %eq3A : vector<512x1000xi32>
    %convert_element_type3A = arith.extui %eq3A_2 : vector<512x1000xi1> to vector<512x1000xi32>
    %convert_element_type3A_3 = arith.sitofp %convert_element_type3A : vector<512x1000xi32> to vector<512x1000xf32>
    %swap3A = arith.constant 0 : index
    %swap3A_4 = arith.constant 0 : index
    %swap3A_5 = vector.load %arg2[%swap3A, %swap3A_4] : memref<512x1000xf32, #tpu.memory_space<vmem>>, vector<512x1000xf32>
    tpu.vector_store %arg2[%swap3A, %swap3A_4], %convert_element_type3A_3 {strides = array<i32>} : memref<512x1000xf32, #tpu.memory_space<vmem>>, vector<512x1000xf32>,
    return
  }
  func.func @transform_0(%arg0: i32) -> (i32, i32) {
    %c0_i32 = arith.constant 0 : i32
    %c0_i32_0 = arith.constant 0 : i32
    return %arg0, %c0_i32 : i32, i32
  }
  func.func @transform_1(%arg0: i32) -> (i32, i32) {
    %c0_i32 = arith.constant 0 : i32
    %c0_i32_0 = arith.constant 0 : i32
    return %arg0, %c0_i32 : i32, i32
  }
}

</mosaic_0001>

<sc_bundles>
// kernel: sparse-core-data-format-call.cloned.1.call-start
scs
called_computation_lowered:
.L_overlay_start_0:
0x0: {  	s2 =	sld [smem:$0x3FD9]  }
0x1: {  	s3 =	sld [smem:$0x3FFE];
	_ =	sdelay $0x1  }
0x2: {  	s1 =	srdreg.scid  }
0x3: {  	s0 =	sand.u32 $0x1, s1  }
0x4: {  	s18 =	sshll.u32 s0, $0xA;
	s2 =	sadd.s32 s3, s2  }
0x5: {  	s2 =	sadd.s32 s2, s18  }
0x6: {  	[smem:$0x3FC7] =	sst s2  }
0x7: {  	_ = 	snop  }
0x8: {  	s2 =	sld [smem:$0x3FD0];
	(tm) =	ssettm $0x1  }
0x9: {  	s19 =	sld [smem:$0x3FFB];
	_ =	sdelay $0x3  }
0xa: {  	_ =	strace s19  }
0xb: {  	s3 =	sld [smem:$0x3FFC];
	_ =	sdelay $0x3  }
0xc: {  	_ =	strace s3  }
0xd: {  	s3 =	sld [smem:$0x3FFD];
	_ =	sdelay $0x3  }
0xe: {  	_ =	strace s3  }
0xf: {  	_ =	strace $0x8FFFFFFF  }
0x10: {  	s20 =	sld [smem:$0x3FDB];
	_ =	sdelay $0x1  }
0x11: {  	s4 =	simm.s32 $_scs_section_size  }
0x12: {  	s5 =	simm.s32 $_size__tile_overlayer_lowered;
	s6 =	simm.s32 $_tile_overlayer_lowered  }
0x13: {  	s23 =	simm.s32 $0x1BFF;
	s22 =	sshll.u32 s6, $0x1;
	s3 =	sadd.s32 s4, s20  }
0x14: {  	s7 =	simm.s32 $0x0;
	s21 =	sshll.u32 s5, $0x1;
	s5 =	sadd.s32 s22, s3  }
0x15: {  	[timem:s7], [sflag:s23] =	dma.local [hbm:s5], s21  }
0x16: {  	_ =	swait.ge [sflag:s23], s21  }
0x17: {  	s4 =	ssub.s32 $0x0, s21;
	[sflag:s23] =	ssyncset.done $0x0  }
0x18: {  	[sflag:s23] =	ssyncadd.s32 s4;
	_ =	sdelay $0x1  }
0x19: {  	s24 =	simm.s32 $0x1B8B  }
0x1a: {  	_ =	swait.ge [sflag:s24], $0x1  }
0x1b: {  	[sflag:s24] =	ssyncset.done $0x0  }
0x1c: {  	s26 =	simm.s32 $0x1B8E;
	s25 =	sld [smem:$0x3FFE];
	[sflag:s24] =	ssyncadd.s32 $0xFFFFFFFF  }
0x1d: {  	s27 =	simm.s32 $execute0_lowered;
	[smem:$0x3FD2] =	sst s26  }
0x1e: {  	s5 =	sshll.u32 s27, $0x1;
	_ =	strace $0x80000046;
	[dreg:$0x1] =	wrdreg $0xFFFFFFFF  }
0x1f: {  	s28 =	simm.s32 $_size_execute0_lowered;
	s3 =	sadd.s32 s3, s5;
	[dreg:$0x0] =	wrdreg $0x0  }
0x20: {  	s5 =	sshll.u32 s28, $0x1;
	[dreg:$0x2] =	wrdreg s3  }
0x21: {  	[dreg:$0x3] =	wrdreg s5  }
0x22: {  	[dreg:$0x4] =	wrdreg $0xC0  }
0x23: {  	_ =	task [dreg:s7], $0x5FFFF  }
0x24: {  	[dreg:$0x1] =	wrdreg $0xFFFFFFFF  }
0x25: {  	[dreg:$0x0] =	wrdreg $0x60  }
0x26: {  	[dreg:$0x2] =	wrdreg s25  }
0x27: {  	[dreg:$0x3] =	wrdreg s2  }
0x28: {  	[dreg:$0x4] =	wrdreg $0x9  }
0x29: {  	_ =	task.clear_ibuf [dreg:s7], $0x5FFFF;
	_ =	strace $0x90000046  }
0x2a: {  	s29 =	simm.s32 $0x9;
	_ =	strace $0x80000048  }
0x2b: {  	_ =	swait.ge [sflag:s29], $0x1  }
0x2c: {  	[sflag:s29] =	ssyncadd.s32 $0xFFFFFFFF  }
0x2d: {  	_ =	strace $0x90000048  }
0x2e: {  	_ =	sfence  }
0x2f: {  	s30 =	sld [smem:$0x0];
	_ =	sdelay $0x2  }
0x30: {  	s31 =	sshll.u32 s1, $0xD;
	s1 =	sshrl.u32 s1, $0x2  }
0x31: {  	s3 =	sand.u32 $0x4000, s31;
	s1 =	sadd.s32 s1, s30  }
0x32: {  	s0 =	sor.u32 s3, s0;
	s1 =	sshll.u32 s1, $0x11  }
0x33: {  	s0 =	sor.u32 s1, s0  }
0x34: {  	s0 =	sadd.s32 $0x8F2B, s0  }
0x35: {  	[sflag:s0] =	ssyncadd.remote.s32 $0x1  }
0x36: {  	_ =	sfence.sel $0xFFFF  }
0x37: {  	[dreg:$0x0] =	wrdreg $0xFFFFFFFF;
	(pc) =	sbr.abs _section_cstart, $3  }
0x38: {  	[dreg:$0x1] =	wrdreg $0xFFFFFFFF  }
0x39: {  	_ =	task.clear_ibuf [dreg:s7], $0x2FFFF;
	_ =	strace $0x9FFFFFFF  }
0x3a: {  	(tm) =	ssettm $0x7FFFFFFF  }
0x3b: {  	_ =	shalt  }
tec
execute0_lowered:
.L_overlay_start_1:
0x0: {  	(tag) =	ssettag $0x1  }
0x1: {  	s0 =	srdreg.scid;
	s6 =	rddreg [dreg:$0x0]  }
0x2: {  	s3 =	rddreg [dreg:$0x1];
	s1 =	sshll.u32 s0, $0x4  }
0x3: {  	s5 =	simm.s32 $0x1;
	s0 =	stileid.u32;
	s1 =	sand.u32 $0x10, s1  }
0x4: {  	s31 =	simm.s32 $0x2;
	s16 =	simm.s32 $0x0;
	s1 =	sor.u32 s0, s1  }
0x5: {  	s8 =	simm.s32 $0x8000;
	s18 =	simm.s32 $0x0;
	s2 =	sshll.u32 s1, $0x7  }
0x6: {  	s17 =	simm.s32 $0x0;
	s9 =	simm.s32 $0x0;
	s4 =	ssub.s32 $0x1000, s2  }
0x7: {  	s10 =	simm.s32 $0x0;
	s11 =	simm.s32 $0x0;
	s30 =	sand.u32 $0xF80, s4  }
0x8: {  	s12 =	simm.s32 $0x0;
	s13 =	simm.s32 $0x0;
	p0 =	sne.s32 s30, $0x0  }
.Ltmp0:
0x9: {  	s7 =	sshrl.u32 s4, $0xC;
	s5 =	simm.s32 @!p0 $0x0;
	(pc) =	sbr.rel .LBB1_1-.Ltmp0, $4  }
0xa: {  	s15 =	simm.s32 $0x0;
	s1 =	rddreg [dreg:$0x2];
	s5 =	sadd.s32 s5, s7  }
0xb: {  	_ =	strace $0x80000047;
	s4 =	simm.s32 $0x1;
	s5 =	smul.u32 $0xD0, s5  }
0xc: {  	s6 =	sadd.s32 $0xD00400, s6;
	s14 =	smov.u32 s2;
	[sflag:s4] =	ssyncpa.u1 $0x0  }
0xd: {  	[sflag:s31] =	ssyncpa.u1 $0x0;
	p0 =	por $0x0, $0x0;
	s7 =	sor.u32 $0x1, s5  }
.LBB1_4:
0xe: {  	s23 =	sshra.s32 s23, $0x2;
	s30 =	sshll.u32 s9, $0xC  }
0xf: {  	p1 =	sgt.s32 s10, $0x19;
	s24 =	smov.u32 s10;
	s25 =	sshra.s32 s10, $0x1F  }
0x10: {  	s26 =	sshll.u32 s11, $0x3;
	s28 =	smov.u32 s11;
	s29 =	sshra.s32 s11, $0x1F  }
0x11: {  	s22 =	sadd.s32 s23, s22;
	s24 =	simm.s32 @!p1 $0x19;
	s25 =	sand.u32 s25, s10  }
0x12: {  	s23 =	sand.u32 $0xFFFF8000, s30;
	s27 =	sand.u32 $0xFFFFFC00, s26;
	p1 =	sgt.s32 s9, $0x368  }
0x13: {  	s31 =	sand.u32 s29, s11;
	s29 =	sshll.u32 s9, $0x7;
	s30 =	sshra.s32 s9, $0x1F  }
0x14: {  	[tilespmem:s21+$0x2040 ss:$0x81] =	vst.msk $0xffff, v4;
	s24 =	ssub.s32 s24, s25;
	s23 =	sadd.s32 s27, s23;
	s27 =	smov.u32 s9  }
0x15: {  	[tilespmem:s21+$0x2850 ss:$0x81] =	vst.msk $0xffff, v3;
	s29 =	sand.u32 $0x380, s29;
	s25 =	sadd.s32 $0xFFFFFFE7, s24;
	s27 =	simm.s32 @!p1 $0x368  }
0x16: {  	v5 =	vld [tilespmem:s20+$0xFFFFFFD0];
	[tilespmem:s21+$0x3060 ss:$0x81] =	vst.msk $0xffff, v2;
	p1 =	sgt.s32 s11, $0xF80;
	s23 =	sshrl.u32 s23, $0xC;
	s24 =	ssub.s32 $0x1A, s24  }
0x17: {  	v58 =	vld [tilespmem:s20+$0xFFFFFFE0];
	[tilespmem:s21+$0x0 ss:$0x81] =	vst.msk $0xffff, v1;
	s28 =	simm.s32 @!p1 $0xF80;
	p1 =	sgt.s32 s25, $0x0;
	s21 =	smulhi.u32 $0x418938, s23  }
0x18: {  	v59 =	vld [tilespmem:s20+$0xFFFFFFF0];
	s25 =	ssub.s32 s28, s31;
	s28 =	sand.u32 s30, s9;
	s24 =	simm.s32 @p1 $0x0  }
0x19: {  	v60 =	vld [tilespmem:s20+$0x0];
	s27 =	ssub.s32 s27, s28;
	s31 =	sadd.s32 $0xFFFFF080, s25;
	s25 =	ssub.s32 $0x1000, s25  }
0x1a: {  	v61 =	vld [tilespmem:s20+$0x10];
	[tilespmem:s22+$0x3870 ss:$0x81] =	vst.msk $0xffff, v0;
	s21 =	smul.u32 $0x3E8, s21;
	s28 =	sand.u32 $0x7, s11;
	p1 =	sgt.s32 s31, $0x7F  }
0x1b: {  	v62 =	vld [tilespmem:s20+$0x20];
	[tilespmem:s22+$0x810 ss:$0x81] =	vst.msk $0xffff, v5;
	s30 =	sadd.s32 $0xFFFFFC98, s27;
	s31 =	sand.u32 $0x78, s11;
	s25 =	simm.s32 @p1 $0x0  }
0x1c: {  	v63 =	vld [tilespmem:s20+$0xFFFFFFC0];
	[tilespmem:s22+$0x1020 ss:$0x81] =	vst.msk $0xffff, v58;
	p1 =	sgt.s32 s30, $0x7F;
	s30 =	sand.u32 $0xC00, s26;
	s24 =	smul.u32 s25, s24  }
0x1d: {  	[tilespmem:s22+$0x1830 ss:$0x81] =	vst.msk $0xffff, v59;
	s26 =	ssub.s32 $0x3E8, s27;
	s20 =	sor.u32 s31, s30;
	s31 =	smul.u32 $0x7D000, s10  }
0x1e: {  	[tilespmem:s22+$0x2040 ss:$0x81] =	vst.msk $0xffff, v60;
	s21 =	ssub.s32 s23, s21;
	s26 =	simm.s32 @p1 $0x0;
	s20 =	sor.u32 s29, s20  }
0x1f: {  	[tilespmem:s22+$0x2850 ss:$0x81] =	vst.msk $0xffff, v61;
	s26 =	smul.u32 s26, s24;
	s20 =	sshrl.u32 s20, $0x3;
	s27 =	sadd.s32 s3, s31  }
0x20: {  	[tilespmem:s22+$0x3060 ss:$0x81] =	vst.msk $0xffff, v62;
	s21 =	sshll.u32 s21, $0x9;
	s29 =	sshll.u32 s28, $0x12;
	s20 =	sadd.s32 s20, s27  }
0x21: {  	[tilespmem:s22+$0x0 ss:$0x81] =	vst.msk $0xffff, v63;
	s31 =	sor.u32 $0x400, s29;
	s30 =	sand.u32 $0x3FFFFFFF, s26;
	s20 =	sadd.s32 s21, s20  }
0x22: {  	[hbm4b:s20+s31] =	stream.strided.scatter [tilespmem:s19], [sflag:$0x2], s30, s8, s31, $0x20;
	[tilespmem:$0x10100] =	vst v63  }
.LBB1_5:
0x23: {  	p1 =	slt.u32 s15, $0x2  }
0x24: {  	p2 =	sgt.s32 @!p1 s18, $0x19  }
0x25: {  	s19 =	smov.u32 s18;
	s20 =	sshra.s32 @!p1 s18, $0x1F;
	p2 =	por !p2, p1  }
0x26: {  	s18 =	sand.u32 @!p1 s20, s18;
	s19 =	simm.s32 @p2 $0x19  }
0x27: {  	p3 =	sgt.s32 @!p1 s16, $0x368;
	s18 =	ssub.s32 @!p1 s19, s18  }
0x28: {  	p4 =	sgt.s32 @!p1 s17, $0xF80;
	s21 =	sshra.s32 @!p1 s17, $0x1F;
	s19 =	sadd.s32 @!p1 $0xFFFFFFE7, s18  }
0x29: {  	s20 =	smov.u32 s16;
	p2 =	sgt.s32 @!p1 s19, $0x0;
	s19 =	sshra.s32 @!p1 s16, $0x1F  }
0x2a: {  	p4 =	por !p4, p1;
	s16 =	sand.u32 @!p1 s19, s16;
	s19 =	smov.u32 s17  }
0x2b: {  	p3 =	por !p3, p1;
	s17 =	sand.u32 @!p1 s21, s17;
	s19 =	simm.s32 @p4 $0xF80  }
0x2c: {  	s20 =	simm.s32 @p3 $0x368;
	s18 =	ssub.s32 @!p1 $0x1A, s18;
	s17 =	ssub.s32 @!p1 s19, s17  }
0x2d: {  	p2 =	por !p2, p1;
	s16 =	ssub.s32 @!p1 s20, s16;
	s20 =	sadd.s32 @!p1 $0xFFFFF080, s17  }
0x2e: {  	s18 =	simm.s32 @!p2 $0x0;
	p3 =	sgt.s32 @!p1 s20, $0x7F  }
0x2f: {  	s19 =	sadd.s32 @!p1 $0xFFFFFC98, s16;
	s17 =	ssub.s32 @!p1 $0x1000, s17;
	p3 =	por !p3, p1  }
0x30: {  	p2 =	sgt.s32 @!p1 s19, $0x7F;
	s19 =	sadd.s32 $0x80, s12;
	s17 =	simm.s32 @!p3 $0x0  }
0x31: {  	p3 =	sgt.s32 s19, $0x3E7;
	s17 =	smul.u32 @!p1 s17, s18;
	s18 =	simm.s32 $0x1  }
0x32: {  	s16 =	ssub.s32 @!p1 $0x3E8, s16;
	p2 =	por !p2, p1;
	s18 =	simm.s32 @!p3 $0x0  }
0x33: {  	s21 =	smov.u32 s14;
	s16 =	simm.s32 @!p2 $0x0;
	s20 =	sadd.s32 s18, s13  }
0x34: {  	s16 =	smul.u32 @!p1 s16, s17;
	s17 =	sadd.s32 $0x1000, s14;
	p2 =	sgt.s32 s20, $0x19  }
0x35: {  	p0 =	por !p0, !p0;
	s22 =	simm.s32 @!p1 $0x2;
	s21 =	smov.u32 @p2 s17  }
0x36: {  	s19 =	simm.s32 @p3 $0x0;
	s20 =	simm.s32 @p2 $0x0;
	p2 =	sgt.s32 s21, $0xFFF  }
0x37: {  	s18 =	smov.u32 s10;
	s21 =	smov.u32 @p2 s2;
	p2 =	sne.s32 s15, s7  }
.Ltmp1:
0x38: {  	s10 =	smov.u32 s13;
	s16 =	sand.u32 @!p1 $0x3FFFFFFF, s16;
	(pc) =	sbr.rel @!p2 .LBB1_6-.Ltmp1, $4  }
0x39: {  	s17 =	smov.u32 s11;
	s11 =	smov.u32 s14;
	_ =	swait.ge @!p1 [sflag:s22], s16  }
0x3a: {  	s23 =	ssub.s32 @!p1 $0x0, s16;
	s16 =	smov.u32 s9;
	s9 =	smov.u32 s12  }
0x3b: {  	s12 =	smov.u32 s19;
	s13 =	smov.u32 s20;
	[sflag:s22] =	ssyncset.done @!p1 $0x0  }
0x3c: {  	s15 =	sadd.s32 $0x1, s15;
	[sflag:s22] =	ssyncadd.s32 @!p1 s23;
	s14 =	smov.u32 s21  }
.LBB1_1:
0x3d: {  	p1 =	sge.u32 s15, s5  }
0x3e: {  	s31 =	sadd.s32 $0xFFFFFFFF, s15;
	s19 =	sshll.u32 @!p1 s13, $0x7  }
0x3f: {  	s20 =	sxor.u32 @!p1 $0xFFFFFFFF, s15;
	s21 =	sand.u32 @!p1 $0x78, s12;
	s22 =	sand.u32 @!p1 $0x380, s19  }
0x40: {  	s20 =	sshll.u32 @!p1 s20, $0xE;
	s21 =	sor.u32 @!p1 s21, s22;
	s22 =	sshll.u32 @!p1 s14, $0xC  }
0x41: {  	s19 =	sand.u32 @!p1 $0xC00, s19;
	s21 =	sshrl.u32 @!p1 s21, $0x3;
	s22 =	sadd.s32 @!p1 s6, s22  }
0x42: {  	s19 =	sadd.s32 @!p1 s12, s19;
	s21 =	sadd.s32 @!p1 s21, s22;
	s22 =	sand.u32 @!p1 $0x7, s12  }
0x43: {  	s20 =	sand.u32 @!p1 $0x4000, s20;
	s19 =	sand.u32 @!p1 $0xF80, s19;
	s22 =	sshll.u32 @!p1 s22, $0x12  }
0x44: {  	s19 =	sadd.s32 @!p1 s19, s21;
	s21 =	sor.u32 @!p1 $0x80, s22;
	s22 =	simm.s32 @!p1 $0x8000  }
0x45: {  	[tilespmem:s20], [sflag:$0x1] =	stream.strided.gather @!p1 [hbm4b:s19+s21], $0x4000, s22, s21, $0x38;
	[tilespmem:$0x10100] =	vst v63  }
0x46: {  	p1 =	sge.u32 s31, s5  }
.Ltmp2:
0x47: {  	_ = 	snop;
	(pc) =	sbr.rel @p1 .LBB1_5-.Ltmp2, $1  }
0x48: {  	_ =	sdelay $0x3  }
0x49: {  	s19 =	simm.s32 $0x1  }
0x4a: {  	_ =	swait.ge [sflag:s4], $0x4000;
	s19 =	simm.s32 @!p0 $0x0  }
0x4b: {  	[sflag:s4] =	ssyncset.done $0x0;
	s20 =	sshll.u32 s19, $0xE  }
0x4c: {  	[sflag:s4] =	ssyncadd.s32 $0xFFFFC000;
	s20 =	sor.u32 $0x40, s20  }
0x4d: {  	s19 =	smul.u32 $0x10200, s19;
	v0 =	vld [tilespmem:s20+$0x30]  }
0x4e: {  	v1 =	vld [tilespmem:s20+$0xFFFFFFD0]  }
0x4f: {  	s19 =	sshrl.u32 s19, $0x2;
	v5 =	vld [tilespmem:s20+$0xFFFFFFE0]  }
0x50: {  	v6 =	vld [tilespmem:s20+$0xFFFFFFF0];
	s22 =	sor.u32 $0x8000, s19  }
0x51: {  	s31 =	sand.u32 $0x1, s15;
	v4 =	vld [tilespmem:s20+$0x0];
	s21 =	sadd.s32 $0x0, s22  }
0x52: {  	v3 =	vld [tilespmem:s20+$0x10];
	s19 =	smul.u32 $0x10200, s31;
	[tilespmem:s21+$0x3870 ss:$0x81] =	vst.msk $0xffff, v0  }
0x53: {  	v2 =	vld [tilespmem:s20+$0x20];
	[tilespmem:s21+$0x810 ss:$0x81] =	vst.msk $0xffff, v1  }
0x54: {  	s19 =	sshrl.u32 s19, $0x2;
	v1 =	vld [tilespmem:s20+$0xFFFFFFC0];
	[tilespmem:s21+$0x1020 ss:$0x81] =	vst.msk $0xffff, v5;
	s20 =	sadd.s32 $0x80, s20  }
0x55: {  	s23 =	simm.s32 $0x4;
	s24 =	simm.s32 $0x8;
	s19 =	sor.u32 $0x8000, s19;
	[tilespmem:s21+$0x1830 ss:$0x81] =	vst.msk $0xffff, v6;
	v0 =	vld [tilespmem:s20+$0x30]  }
.LBB1_3:
0x56: {  	p1 =	sne.s32 s24, $0x1FC;
	v5 =	vld [tilespmem:s20+$0xFFFFFFD0];
	[tilespmem:s21+$0x2040 ss:$0x81] =	vst.msk $0xffff, v4  }
0x57: {  	v6 =	vld [tilespmem:s20+$0xFFFFFFE0];
	[tilespmem:s21+$0x2850 ss:$0x81] =	vst.msk $0xffff, v3  }
0x58: {  	s25 =	sshra.s32 s23, $0x2;
	s23 =	smov.u32 s24;
	v7 =	vld [tilespmem:s20+$0xFFFFFFF0];
	[tilespmem:s21+$0x3060 ss:$0x81] =	vst.msk $0xffff, v2  }
.Ltmp3:
0x59: {  	v4 =	vld [tilespmem:s20+$0x0];
	[tilespmem:s21+$0x0 ss:$0x81] =	vst.msk $0xffff, v1;
	s21 =	sadd.s32 s25, s22;
	(pc) =	sbr.rel @p1 .LBB1_3-.Ltmp3, $4  }
0x5a: {  	v3 =	vld [tilespmem:s20+$0x10];
	[tilespmem:s21+$0x3870 ss:$0x81] =	vst.msk $0xffff, v0  }
0x5b: {  	[tilespmem:s21+$0x810 ss:$0x81] =	vst.msk $0xffff, v5;
	v2 =	vld [tilespmem:s20+$0x20]  }
0x5c: {  	v1 =	vld [tilespmem:s20+$0xFFFFFFC0];
	[tilespmem:s21+$0x1020 ss:$0x81] =	vst.msk $0xffff, v6;
	s20 =	sadd.s32 $0x80, s20  }
0x5d: {  	s24 =	sadd.s32 $0x4, s24;
	v0 =	vld [tilespmem:s20+$0x30];
	[tilespmem:s21+$0x1830 ss:$0x81] =	vst.msk $0xffff, v7  }
.Ltmp4:
0x5e: {  	_ = 	snop;
	(pc) =	sbr.rel .LBB1_4-.Ltmp4, $1  }
0x5f: {  	_ =	sdelay $0x3  }
.LBB1_6:
0x60: {  	_ =	sfence.sel $0x180000  }
0x61: {  	s2 =	simm.s32 $0x1;
	[bflag:$0x0] =	sbarrier.arrive $0xFFFF  }
0x62: {  	s31 =	simm.s32 $0x2;
	[sflag:s2] =	ssyncpa.u1 $0x1  }
0x63: {  	[sflag:s31] =	ssyncpa.u1 $0x1  }
0x64: {  	p0 =	sne.s32 s0, $0x0;
	_ =	strace $0x90000047  }
0x65: {  	s0 =	sadd.s32 @!p0 $0x100000, s1;
	[bflag:$0x2] =	sbarrier.arrive $0xFFFF  }
0x66: {  	[sflag:s0] =	ssyncadd.tile.s32 @!p0 $0x1;
	_ =	shalt  }
.Lfunc_end1:
_tile_overlayer_lowered:
.L_overlay_start_2:
0x67: {  	(tag) =	ssettag $0x2  }
0x68: {  	s0 =	rddreg [dreg:$0x0];
	s2 =	stileid.u32  }
0x69: {  	s1 =	rddreg [dreg:$0x1];
	p0 =	sne.s32 s2, $0x0  }
0x6a: {  	s3 =	rddreg [dreg:$0x2];
	[bflag:$0x3] =	sbarrier.arrive $0xFFFF;
	s2 =	simm.s32 @!p0 $0x1C01  }
0x6b: {  	[timem:s3], [sflag:s2] =	dma.local @!p0 [hbm:s0], s1  }
0x6c: {  	s0 =	simm.s32 @!p0 $0x1  }
0x6d: {  	_ =	swait.ge @!p0 [sflag:s0], s1  }
0x6e: {  	s1 =	ssub.s32 @!p0 $0x0, s1;
	[sflag:s0] =	ssyncset.done @!p0 $0x0  }
0x6f: {  	[sflag:s0] =	ssyncadd.s32 @!p0 s1  }
0x70: {  	[bflag:$0x3] =	sbarrier.arrive $0xFFFF  }
0x71: {  	_ =	shalt  }

</sc_bundles>
